<compile_context>
chip_gen: v7x
topology: tpu7x:2x2x1
jax: 0.10.2.dev20260603
libtpu: 0.0.44.dev20260713+nightly
codegen_flags: <defaults>
</compile_context>

<pallas_src>
import functools

import jax
import jax.numpy as jnp
from jax import lax
from jax.experimental import pallas as pl
from jax.experimental.pallas import tpu as pltpu
from jax.experimental.pallas import tpu_sc as plsc

NC, NS = 2, 16
NW = NC * NS
B = 16384
D = 64
DW = 2 * D
BPW = B // NW
CH = 128
NCH = BPW // CH
PAIRS = 500000


def _gather_body(u_hbm, i_hbm, ut_hbm, it_hbm, ue_out, ie_out,
                 uidx, iidx, upair, ipair,
                 gu0, gu1, gu2, gi0, gi1, gi2, gsem, wsem):
    wid = lax.axis_index("s") * NC + lax.axis_index("c")
    base = wid * BPW
    pltpu.sync_copy(u_hbm.at[pl.ds(base, BPW)], uidx)
    pltpu.sync_copy(i_hbm.at[pl.ds(base, BPW)], iidx)

    def topairs(t, _):
        sl = pl.ds(t * 16, 16)
        upair[sl] = jax.lax.shift_right_logical(uidx[sl], 1)
        ipair[sl] = jax.lax.shift_right_logical(iidx[sl], 1)
        return _

    lax.fori_loop(0, BPW // 16, topairs, 0)

    gus = (gu0, gu1, gu2)
    gis = (gi0, gi1, gi2)

    def issue_gather(c, s):
        sl = pl.ds(c * CH, CH)
        pltpu.async_copy(ut_hbm.at[upair.at[sl]], gus[s], gsem)
        pltpu.async_copy(it_hbm.at[ipair.at[sl]], gis[s], gsem)

    def wait_gather(s):
        pltpu.make_async_copy(ut_hbm.at[upair.at[pl.ds(0, CH)]], gus[s], gsem).wait()
        pltpu.make_async_copy(it_hbm.at[ipair.at[pl.ds(0, CH)]], gis[s], gsem).wait()

    def issue_write(c, s):
        dst = pl.ds(base + c * CH, CH)
        pltpu.async_copy(gus[s], ue_out.at[dst], wsem)
        pltpu.async_copy(gis[s], ie_out.at[dst], wsem)

    def wait_write(s):
        pltpu.make_async_copy(gus[s], ue_out.at[pl.ds(base, CH)], wsem).wait()
        pltpu.make_async_copy(gis[s], ie_out.at[pl.ds(base, CH)], wsem).wait()

    issue_gather(0, 0)
    issue_gather(1, 1)
    issue_gather(2, 2)
    wait_gather(0)
    issue_write(0, 0)
    wait_gather(1)
    issue_write(1, 1)
    wait_gather(2)
    issue_write(2, 2)
    wait_write(0)
    issue_gather(3, 0)
    wait_gather(0)
    issue_write(3, 0)
    wait_write(1)
    wait_write(2)
    wait_write(0)


def _make_gather():
    mesh = plsc.VectorSubcoreMesh(core_axis_name="c", subcore_axis_name="s")
    return pl.kernel(
        _gather_body,
        out_type=(
            jax.ShapeDtypeStruct((B, DW), jnp.float32),
            jax.ShapeDtypeStruct((B, DW), jnp.float32),
        ),
        mesh=mesh,
        scratch_types=[
            pltpu.VMEM((BPW,), jnp.int32),
            pltpu.VMEM((BPW,), jnp.int32),
            pltpu.VMEM((BPW,), jnp.int32),
            pltpu.VMEM((BPW,), jnp.int32),
            pltpu.VMEM((CH, DW), jnp.float32),
            pltpu.VMEM((CH, DW), jnp.float32),
            pltpu.VMEM((CH, DW), jnp.float32),
            pltpu.VMEM((CH, DW), jnp.float32),
            pltpu.VMEM((CH, DW), jnp.float32),
            pltpu.VMEM((CH, DW), jnp.float32),
            pltpu.SemaphoreType.DMA,
            pltpu.SemaphoreType.DMA,
        ],
    )


BLK = 2048


def _mlp_body(ue2, ie2, um, im, w1a, w1b, b1, w2, b2, w3, b3, out):
    mu = (um[...] & 1) == 0
    mi = (im[...] & 1) == 0
    ue = jnp.where(mu, ue2[:, :D], ue2[:, D:])
    ie = jnp.where(mi, ie2[:, :D], ie2[:, D:])
    h = jnp.dot(ue, w1a[...], preferred_element_type=jnp.float32)
    h = h + jnp.dot(ie, w1b[...], preferred_element_type=jnp.float32)
    h = jnp.maximum(h + b1[...], 0.0)
    h = jnp.dot(h, w2[...], preferred_element_type=jnp.float32) + b2[...]
    h = jnp.maximum(h, 0.0)
    o = jnp.dot(h, w3[...], preferred_element_type=jnp.float32) + b3[...]
    out[...] = jax.nn.sigmoid(o)


def _mlp(ue2, ie2, um, im, W1a, W1b, b1, W2, b2, W3, b3):
    grid = (B // BLK,)
    full = lambda g: (0, 0)
    return pl.pallas_call(
        _mlp_body,
        grid=grid,
        in_specs=[
            pl.BlockSpec((BLK, DW), lambda g: (g, 0)),
            pl.BlockSpec((BLK, DW), lambda g: (g, 0)),
            pl.BlockSpec((BLK, 1), lambda g: (g, 0)),
            pl.BlockSpec((BLK, 1), lambda g: (g, 0)),
            pl.BlockSpec(W1a.shape, full),
            pl.BlockSpec(W1b.shape, full),
            pl.BlockSpec(b1.shape, full),
            pl.BlockSpec(W2.shape, full),
            pl.BlockSpec(b2.shape, full),
            pl.BlockSpec(W3.shape, full),
            pl.BlockSpec(b3.shape, full),
        ],
        out_specs=pl.BlockSpec((BLK, 1), lambda g: (g, 0)),
        out_shape=jax.ShapeDtypeStruct((B, 1), jnp.float32),
    )(ue2, ie2, um, im, W1a, W1b, b1, W2, b2, W3, b3)


def kernel(u, i, user_table, item_table, W1, b1, W2, b2, W3, b3):
    ut2 = user_table.reshape(PAIRS, DW)
    it2 = item_table.reshape(PAIRS, DW)
    ue2, ie2 = _make_gather()(u, i, ut2, it2)
    out = _mlp(ue2, ie2, u.reshape(-1, 1), i.reshape(-1, 1),
               W1[:D], W1[D:],
               b1.reshape(1, -1),
               W2, b2.reshape(1, -1),
               W3, b3.reshape(1, -1))
    return jnp.squeeze(out, axis=-1)

# --- scband reference (transcript-rebuilt; emitter-appended) ---
"""Pipeline reference for scband-ncf-34763465294384 (READ-ONLY COPY).

The authoritative reference and input builder live on the scoring server;
editing this copy changes nothing except your own understanding.
"""

import jax, jax.numpy as jnp
import numpy as np

N_USERS = 1000000
N_ITEMS = 1000000
EMB_DIM = 64
BATCH = 16384


def setup_inputs(seed: int = 0) -> dict:
    key = jax.random.key(seed)
    ks = jax.random.split(key, 10)
    u = jax.random.randint(ks[0], (BATCH,), 0, N_USERS, dtype=jnp.int32)
    i = jax.random.randint(ks[1], (BATCH,), 0, N_ITEMS, dtype=jnp.int32)
    user_table = jax.random.normal(ks[2], (N_USERS, EMB_DIM), dtype=jnp.float32) * 0.02
    item_table = jax.random.normal(ks[3], (N_ITEMS, EMB_DIM), dtype=jnp.float32) * 0.02
    W1 = jax.random.normal(ks[4], (2 * EMB_DIM, 128), dtype=jnp.float32) * (1.0 / np.sqrt(2 * EMB_DIM))
    b1 = jnp.zeros((128,), dtype=jnp.float32)
    W2 = jax.random.normal(ks[5], (128, 64), dtype=jnp.float32) * (1.0 / np.sqrt(128))
    b2 = jnp.zeros((64,), dtype=jnp.float32)
    W3 = jax.random.normal(ks[6], (64, 1), dtype=jnp.float32) * (1.0 / np.sqrt(64))
    b3 = jnp.zeros((1,), dtype=jnp.float32)
    return {"u": u, "i": i, "user_table": user_table, "item_table": item_table,
            "W1": W1, "b1": b1, "W2": W2, "b2": b2, "W3": W3, "b3": b3}


def reference(u, i, user_table, item_table, W1, b1, W2, b2, W3, b3):
    # embedding lookups (gather) -> SparseCore-friendly
    ue = jnp.take(user_table, u, axis=0)
    ie = jnp.take(item_table, i, axis=0)
    embs = jnp.concatenate([ue, ie], axis=1)
    # MLP (dropout is identity at inference)
    h = jax.nn.relu(embs @ W1 + b1)
    h = jax.nn.relu(h @ W2 + b2)
    out = jax.nn.sigmoid(h @ W3 + b3)
    return jnp.squeeze(out, axis=-1)

if __name__ == "__main__":
    import jax
    _d = setup_inputs()
    print(jax.jit(kernel)(*tuple(_d.values())))

</pallas_src>

<mosaic_0001>
#map = affine_map<(d0, d1) -> (0)>
#map1 = affine_map<(d0, d1) -> (0, 0)>
module attributes {stable_mosaic.version = 14 : i64} {
  func.func @_gather_body(%arg0: i32, %arg1: i32, %arg2: memref<16384xi32, #tpu.memory_space<hbm>>, %arg3: memref<16384xi32, #tpu.memory_space<hbm>>, %arg4: memref<500000x128xf32, #tpu.memory_space<hbm>>, %arg5: memref<500000x128xf32, #tpu.memory_space<hbm>>, %arg6: memref<16384x128xf32, #tpu.memory_space<hbm>>, %arg7: memref<16384x128xf32, #tpu.memory_space<hbm>>, %arg8: memref<512xi32, #tpu.memory_space<vmem>>, %arg9: memref<512xi32, #tpu.memory_space<vmem>>, %arg10: memref<512xi32, #tpu.memory_space<vmem>>, %arg11: memref<512xi32, #tpu.memory_space<vmem>>, %arg12: memref<128x128xf32, #tpu.memory_space<vmem>>, %arg13: memref<128x128xf32, #tpu.memory_space<vmem>>, %arg14: memref<128x128xf32, #tpu.memory_space<vmem>>, %arg15: memref<128x128xf32, #tpu.memory_space<vmem>>, %arg16: memref<128x128xf32, #tpu.memory_space<vmem>>, %arg17: memref<128x128xf32, #tpu.memory_space<vmem>>, %arg18: memref<!tpu.dma_semaphore, #tpu.memory_space<semaphore_mem>>, %arg19: memref<!tpu.dma_semaphore, #tpu.memory_space<semaphore_mem>>) attributes {dimension_semantics = [#tpu.dimension_semantics<core_parallel>, #tpu.dimension_semantics<subcore_parallel>], iteration_bounds = array<i64: 2, 16>, scalar_prefetch = 0 : i64, scratch_operands = 12 : i64, tpu.core_type = #tpu.core_type<sc_vector_subcore>, window_params = [{transform_indices = #map}, {transform_indices = #map}, {transform_indices = #map1}, {transform_indices = #map1}, {transform_indices = #map1}, {transform_indices = #map1}]} {
    %mul3A = arith.constant 2 : i32
    %mul3A_0 = arith.muli %arg1, %mul3A : i32
    %add3A = arith.addi %mul3A_0, %arg0 : i32
    %mul3A_1 = arith.constant 512 : i32
    %mul3A_2 = arith.muli %add3A, %mul3A_1 : i32
    "tpu.region"() ({
      %run_scoped3A = tpu.sem_alloc : memref<!tpu.dma_semaphore, #tpu.memory_space<semaphore_mem>>
      %dma_start3A_158 = tpu.memref_slice %arg2[%mul3A_2] : memref<16384xi32, #tpu.memory_space<hbm>> -> memref<512xi32, #tpu.memory_space<hbm>>
      %dma_start3A_159 = tpu.memref_slice %arg2[%mul3A_2] : memref<16384xi32, #tpu.memory_space<hbm>> -> memref<512xi32, #tpu.memory_space<hbm>>
      tpu.enqueue_dma source(%dma_start3A_159 : memref<512xi32, #tpu.memory_space<hbm>>) target(%arg8 : memref<512xi32, #tpu.memory_space<vmem>>) target_semaphore(%run_scoped3A : memref<!tpu.dma_semaphore, #tpu.memory_space<semaphore_mem>>)
      %dma_wait3A_160 = tpu.memref_slice %arg2[%mul3A_2] : memref<16384xi32, #tpu.memory_space<hbm>> -> memref<512xi32, #tpu.memory_space<hbm>>
      %dma_wait3A_161 = tpu.memref_slice %arg2[%mul3A_2] : memref<16384xi32, #tpu.memory_space<hbm>> -> memref<512xi32, #tpu.memory_space<hbm>>
      tpu.wait_dma2 semaphore(%run_scoped3A : memref<!tpu.dma_semaphore, #tpu.memory_space<semaphore_mem>>) src(%dma_wait3A_161 : memref<512xi32, #tpu.memory_space<hbm>>) dst(%arg8 : memref<512xi32, #tpu.memory_space<vmem>>)
      tpu.yield
    }) : () -> ()
    "tpu.region"() ({
      %run_scoped3A = tpu.sem_alloc : memref<!tpu.dma_semaphore, #tpu.memory_space<semaphore_mem>>
      %dma_start3A_158 = tpu.memref_slice %arg3[%mul3A_2] : memref<16384xi32, #tpu.memory_space<hbm>> -> memref<512xi32, #tpu.memory_space<hbm>>
      %dma_start3A_159 = tpu.memref_slice %arg3[%mul3A_2] : memref<16384xi32, #tpu.memory_space<hbm>> -> memref<512xi32, #tpu.memory_space<hbm>>
      tpu.enqueue_dma source(%dma_start3A_159 : memref<512xi32, #tpu.memory_space<hbm>>) target(%arg9 : memref<512xi32, #tpu.memory_space<vmem>>) target_semaphore(%run_scoped3A : memref<!tpu.dma_semaphore, #tpu.memory_space<semaphore_mem>>)
      %dma_wait3A_160 = tpu.memref_slice %arg3[%mul3A_2] : memref<16384xi32, #tpu.memory_space<hbm>> -> memref<512xi32, #tpu.memory_space<hbm>>
      %dma_wait3A_161 = tpu.memref_slice %arg3[%mul3A_2] : memref<16384xi32, #tpu.memory_space<hbm>> -> memref<512xi32, #tpu.memory_space<hbm>>
      tpu.wait_dma2 semaphore(%run_scoped3A : memref<!tpu.dma_semaphore, #tpu.memory_space<semaphore_mem>>) src(%dma_wait3A_161 : memref<512xi32, #tpu.memory_space<hbm>>) dst(%arg9 : memref<512xi32, #tpu.memory_space<vmem>>)
      tpu.yield
    }) : () -> ()
    %scan3A = arith.constant 0 : i32
    %scan3A_3 = arith.constant 0 : i32
    %scan3A_4 = arith.constant 32 : i32
    %scan3A_5 = arith.addi %scan3A_3, %scan3A_4 : i32
    %scan3A_6 = arith.constant 1 : i32
    scf.for %scan3A_158 = %scan3A_3 to %scan3A_5 step %scan3A_6  : i32 {
      %mul3A_159 = arith.constant 16 : i32
      %mul3A_160 = arith.muli %scan3A_158, %mul3A_159 : i32
      %get3A = arith.index_cast %mul3A_160 : i32 to index
      %get3A_161 = tpu.vector_load %arg8[%get3A] {strides = array<i32>} : memref<512xi32, #tpu.memory_space<vmem>>, vector<16xi32>,
      %get3A_162 = vector.shape_cast %get3A_161 : vector<16xi32> to vector<16xi32>
      %shift_right_logical3A = arith.constant 1 : i32
      %shift_right_logical3A_163 = vector.broadcast %shift_right_logical3A : i32 to vector<16xi32>
      %shift_right_logical3A_164 = arith.shrui %get3A_162, %shift_right_logical3A_163 : vector<16xi32>
      %swap3A = arith.index_cast %mul3A_160 : i32 to index
      %swap3A_165 = tpu.vector_load %arg10[%swap3A] {strides = array<i32>} : memref<512xi32, #tpu.memory_space<vmem>>, vector<16xi32>,
      %swap3A_166 = vector.shape_cast %swap3A_165 : vector<16xi32> to vector<16xi32>
      %swap3A_167 = vector.shape_cast %shift_right_logical3A_164 : vector<16xi32> to vector<16xi32>
      tpu.vector_store %arg10[%swap3A], %swap3A_167 {strides = array<i32>} : memref<512xi32, #tpu.memory_space<vmem>>, vector<16xi32>,
      %get3A_168 = arith.index_cast %mul3A_160 : i32 to index
      %get3A_169 = tpu.vector_load %arg9[%get3A_168] {strides = array<i32>} : memref<512xi32, #tpu.memory_space<vmem>>, vector<16xi32>,
      %get3A_170 = vector.shape_cast %get3A_169 : vector<16xi32> to vector<16xi32>
      %shift_right_logical3A_171 = arith.constant 1 : i32
      %shift_right_logical3A_172 = vector.broadcast %shift_right_logical3A_171 : i32 to vector<16xi32>
      %shift_right_logical3A_173 = arith.shrui %get3A_170, %shift_right_logical3A_172 : vector<16xi32>
      %swap3A_174 = arith.index_cast %mul3A_160 : i32 to index
      %swap3A_175 = tpu.vector_load %arg11[%swap3A_174] {strides = array<i32>} : memref<512xi32, #tpu.memory_space<vmem>>, vector<16xi32>,
      %swap3A_176 = vector.shape_cast %swap3A_175 : vector<16xi32> to vector<16xi32>
      %swap3A_177 = vector.shape_cast %shift_right_logical3A_173 : vector<16xi32> to vector<16xi32>
      tpu.vector_store %arg11[%swap3A_174], %swap3A_177 {strides = array<i32>} : memref<512xi32, #tpu.memory_space<vmem>>, vector<16xi32>,
    }
    %scan3A_7 = arith.constant 32 : i32
    %dma_start3A = arith.constant 0 : i32
    %dma_start3A_8 = tpu.memref_slice %arg10[%dma_start3A] : memref<512xi32, #tpu.memory_space<vmem>> -> memref<128xi32, #tpu.memory_space<vmem>>
    %dma_start3A_9 = arith.constant 0 : i32
    %dma_start3A_10 = arith.constant 0 : i32
    %dma_start3A_11 = tpu.memref_slice %arg4[%dma_start3A_9, %dma_start3A_10] : memref<500000x128xf32, #tpu.memory_space<hbm>> -> memref<500000x128xf32, #tpu.memory_space<hbm>>
    tpu.enqueue_indirect_dma source(%dma_start3A_11 : memref<500000x128xf32, #tpu.memory_space<hbm>>) target(%arg12 : memref<128x128xf32, #tpu.memory_space<vmem>>) offsets(%dma_start3A_8 : memref<128xi32, #tpu.memory_space<vmem>>) semaphore(%arg18 : memref<!tpu.dma_semaphore, #tpu.memory_space<semaphore_mem>>)
    %dma_start3A_12 = arith.constant 0 : i32
    %dma_start3A_13 = tpu.memref_slice %arg11[%dma_start3A_12] : memref<512xi32, #tpu.memory_space<vmem>> -> memref<128xi32, #tpu.memory_space<vmem>>
    %dma_start3A_14 = arith.constant 0 : i32
    %dma_start3A_15 = arith.constant 0 : i32
    %dma_start3A_16 = tpu.memref_slice %arg5[%dma_start3A_14, %dma_start3A_15] : memref<500000x128xf32, #tpu.memory_space<hbm>> -> memref<500000x128xf32, #tpu.memory_space<hbm>>
    tpu.enqueue_indirect_dma source(%dma_start3A_16 : memref<500000x128xf32, #tpu.memory_space<hbm>>) target(%arg15 : memref<128x128xf32, #tpu.memory_space<vmem>>) offsets(%dma_start3A_13 : memref<128xi32, #tpu.memory_space<vmem>>) semaphore(%arg18 : memref<!tpu.dma_semaphore, #tpu.memory_space<semaphore_mem>>)
    %dma_start3A_17 = arith.constant 128 : i32
    %dma_start3A_18 = tpu.memref_slice %arg10[%dma_start3A_17] : memref<512xi32, #tpu.memory_space<vmem>> -> memref<128xi32, #tpu.memory_space<vmem>>
    %dma_start3A_19 = arith.constant 0 : i32
    %dma_start3A_20 = arith.constant 0 : i32
    %dma_start3A_21 = tpu.memref_slice %arg4[%dma_start3A_19, %dma_start3A_20] : memref<500000x128xf32, #tpu.memory_space<hbm>> -> memref<500000x128xf32, #tpu.memory_space<hbm>>
    tpu.enqueue_indirect_dma source(%dma_start3A_21 : memref<500000x128xf32, #tpu.memory_space<hbm>>) target(%arg13 : memref<128x128xf32, #tpu.memory_space<vmem>>) offsets(%dma_start3A_18 : memref<128xi32, #tpu.memory_space<vmem>>) semaphore(%arg18 : memref<!tpu.dma_semaphore, #tpu.memory_space<semaphore_mem>>)
    %dma_start3A_22 = arith.constant 128 : i32
    %dma_start3A_23 = tpu.memref_slice %arg11[%dma_start3A_22] : memref<512xi32, #tpu.memory_space<vmem>> -> memref<128xi32, #tpu.memory_space<vmem>>
    %dma_start3A_24 = arith.constant 0 : i32
    %dma_start3A_25 = arith.constant 0 : i32
    %dma_start3A_26 = tpu.memref_slice %arg5[%dma_start3A_24, %dma_start3A_25] : memref<500000x128xf32, #tpu.memory_space<hbm>> -> memref<500000x128xf32, #tpu.memory_space<hbm>>
    tpu.enqueue_indirect_dma source(%dma_start3A_26 : memref<500000x128xf32, #tpu.memory_space<hbm>>) target(%arg16 : memref<128x128xf32, #tpu.memory_space<vmem>>) offsets(%dma_start3A_23 : memref<128xi32, #tpu.memory_space<vmem>>) semaphore(%arg18 : memref<!tpu.dma_semaphore, #tpu.memory_space<semaphore_mem>>)
    %dma_start3A_27 = arith.constant 256 : i32
    %dma_start3A_28 = tpu.memref_slice %arg10[%dma_start3A_27] : memref<512xi32, #tpu.memory_space<vmem>> -> memref<128xi32, #tpu.memory_space<vmem>>
    %dma_start3A_29 = arith.constant 0 : i32
    %dma_start3A_30 = arith.constant 0 : i32
    %dma_start3A_31 = tpu.memref_slice %arg4[%dma_start3A_29, %dma_start3A_30] : memref<500000x128xf32, #tpu.memory_space<hbm>> -> memref<500000x128xf32, #tpu.memory_space<hbm>>
    tpu.enqueue_indirect_dma source(%dma_start3A_31 : memref<500000x128xf32, #tpu.memory_space<hbm>>) target(%arg14 : memref<128x128xf32, #tpu.memory_space<vmem>>) offsets(%dma_start3A_28 : memref<128xi32, #tpu.memory_space<vmem>>) semaphore(%arg18 : memref<!tpu.dma_semaphore, #tpu.memory_space<semaphore_mem>>)
    %dma_start3A_32 = arith.constant 256 : i32
    %dma_start3A_33 = tpu.memref_slice %arg11[%dma_start3A_32] : memref<512xi32, #tpu.memory_space<vmem>> -> memref<128xi32, #tpu.memory_space<vmem>>
    %dma_start3A_34 = arith.constant 0 : i32
    %dma_start3A_35 = arith.constant 0 : i32
    %dma_start3A_36 = tpu.memref_slice %arg5[%dma_start3A_34, %dma_start3A_35] : memref<500000x128xf32, #tpu.memory_space<hbm>> -> memref<500000x128xf32, #tpu.memory_space<hbm>>
    tpu.enqueue_indirect_dma source(%dma_start3A_36 : memref<500000x128xf32, #tpu.memory_space<hbm>>) target(%arg17 : memref<128x128xf32, #tpu.memory_space<vmem>>) offsets(%dma_start3A_33 : memref<128xi32, #tpu.memory_space<vmem>>) semaphore(%arg18 : memref<!tpu.dma_semaphore, #tpu.memory_space<semaphore_mem>>)
    %dma_wait3A = arith.constant 0 : i32
    %dma_wait3A_37 = tpu.memref_slice %arg10[%dma_wait3A] : memref<512xi32, #tpu.memory_space<vmem>> -> memref<128xi32, #tpu.memory_space<vmem>>
    %dma_wait3A_38 = arith.constant 0 : i32
    %dma_wait3A_39 = arith.constant 0 : i32
    %dma_wait3A_40 = tpu.memref_slice %arg4[%dma_wait3A_38, %dma_wait3A_39] : memref<500000x128xf32, #tpu.memory_space<hbm>> -> memref<500000x128xf32, #tpu.memory_space<hbm>>
    tpu.wait_indirect_dma semaphore(%arg18 : memref<!tpu.dma_semaphore, #tpu.memory_space<semaphore_mem>>) src(%dma_wait3A_40 : memref<500000x128xf32, #tpu.memory_space<hbm>>) dst(%arg12 : memref<128x128xf32, #tpu.memory_space<vmem>>)
    %dma_wait3A_41 = arith.constant 0 : i32
    %dma_wait3A_42 = tpu.memref_slice %arg11[%dma_wait3A_41] : memref<512xi32, #tpu.memory_space<vmem>> -> memref<128xi32, #tpu.memory_space<vmem>>
    %dma_wait3A_43 = arith.constant 0 : i32
    %dma_wait3A_44 = arith.constant 0 : i32
    %dma_wait3A_45 = tpu.memref_slice %arg5[%dma_wait3A_43, %dma_wait3A_44] : memref<500000x128xf32, #tpu.memory_space<hbm>> -> memref<500000x128xf32, #tpu.memory_space<hbm>>
    tpu.wait_indirect_dma semaphore(%arg18 : memref<!tpu.dma_semaphore, #tpu.memory_space<semaphore_mem>>) src(%dma_wait3A_45 : memref<500000x128xf32, #tpu.memory_space<hbm>>) dst(%arg15 : memref<128x128xf32, #tpu.memory_space<vmem>>)
    %add3A_46 = arith.constant 0 : i32
    %add3A_47 = arith.addi %mul3A_2, %add3A_46 : i32
    %dma_start3A_48 = arith.constant 0 : i32
    %dma_start3A_49 = tpu.memref_slice %arg6[%add3A_47, %dma_start3A_48] : memref<16384x128xf32, #tpu.memory_space<hbm>> -> memref<128x128xf32, #tpu.memory_space<hbm>>
    %dma_start3A_50 = arith.constant 0 : i32
    %dma_start3A_51 = tpu.memref_slice %arg6[%add3A_47, %dma_start3A_50] : memref<16384x128xf32, #tpu.memory_space<hbm>> -> memref<128x128xf32, #tpu.memory_space<hbm>>
    tpu.enqueue_dma source(%arg12 : memref<128x128xf32, #tpu.memory_space<vmem>>) target(%dma_start3A_51 : memref<128x128xf32, #tpu.memory_space<hbm>>) target_semaphore(%arg19 : memref<!tpu.dma_semaphore, #tpu.memory_space<semaphore_mem>>)
    %dma_start3A_52 = arith.constant 0 : i32
    %dma_start3A_53 = tpu.memref_slice %arg7[%add3A_47, %dma_start3A_52] : memref<16384x128xf32, #tpu.memory_space<hbm>> -> memref<128x128xf32, #tpu.memory_space<hbm>>
    %dma_start3A_54 = arith.constant 0 : i32
    %dma_start3A_55 = tpu.memref_slice %arg7[%add3A_47, %dma_start3A_54] : memref<16384x128xf32, #tpu.memory_space<hbm>> -> memref<128x128xf32, #tpu.memory_space<hbm>>
    tpu.enqueue_dma source(%arg15 : memref<128x128xf32, #tpu.memory_space<vmem>>) target(%dma_start3A_55 : memref<128x128xf32, #tpu.memory_space<hbm>>) target_semaphore(%arg19 : memref<!tpu.dma_semaphore, #tpu.memory_space<semaphore_mem>>)
    %dma_wait3A_56 = arith.constant 0 : i32
    %dma_wait3A_57 = tpu.memref_slice %arg10[%dma_wait3A_56] : memref<512xi32, #tpu.memory_space<vmem>> -> memref<128xi32, #tpu.memory_space<vmem>>
    %dma_wait3A_58 = arith.constant 0 : i32
    %dma_wait3A_59 = arith.constant 0 : i32
    %dma_wait3A_60 = tpu.memref_slice %arg4[%dma_wait3A_58, %dma_wait3A_59] : memref<500000x128xf32, #tpu.memory_space<hbm>> -> memref<500000x128xf32, #tpu.memory_space<hbm>>
    tpu.wait_indirect_dma semaphore(%arg18 : memref<!tpu.dma_semaphore, #tpu.memory_space<semaphore_mem>>) src(%dma_wait3A_60 : memref<500000x128xf32, #tpu.memory_space<hbm>>) dst(%arg13 : memref<128x128xf32, #tpu.memory_space<vmem>>)
    %dma_wait3A_61 = arith.constant 0 : i32
    %dma_wait3A_62 = tpu.memref_slice %arg11[%dma_wait3A_61] : memref<512xi32, #tpu.memory_space<vmem>> -> memref<128xi32, #tpu.memory_space<vmem>>
    %dma_wait3A_63 = arith.constant 0 : i32
    %dma_wait3A_64 = arith.constant 0 : i32
    %dma_wait3A_65 = tpu.memref_slice %arg5[%dma_wait3A_63, %dma_wait3A_64] : memref<500000x128xf32, #tpu.memory_space<hbm>> -> memref<500000x128xf32, #tpu.memory_space<hbm>>
    tpu.wait_indirect_dma semaphore(%arg18 : memref<!tpu.dma_semaphore, #tpu.memory_space<semaphore_mem>>) src(%dma_wait3A_65 : memref<500000x128xf32, #tpu.memory_space<hbm>>) dst(%arg16 : memref<128x128xf32, #tpu.memory_space<vmem>>)
    %add3A_66 = arith.constant 128 : i32
    %add3A_67 = arith.addi %mul3A_2, %add3A_66 : i32
    %dma_start3A_68 = arith.constant 0 : i32
    %dma_start3A_69 = tpu.memref_slice %arg6[%add3A_67, %dma_start3A_68] : memref<16384x128xf32, #tpu.memory_space<hbm>> -> memref<128x128xf32, #tpu.memory_space<hbm>>
    %dma_start3A_70 = arith.constant 0 : i32
    %dma_start3A_71 = tpu.memref_slice %arg6[%add3A_67, %dma_start3A_70] : memref<16384x128xf32, #tpu.memory_space<hbm>> -> memref<128x128xf32, #tpu.memory_space<hbm>>
    tpu.enqueue_dma source(%arg13 : memref<128x128xf32, #tpu.memory_space<vmem>>) target(%dma_start3A_71 : memref<128x128xf32, #tpu.memory_space<hbm>>) target_semaphore(%arg19 : memref<!tpu.dma_semaphore, #tpu.memory_space<semaphore_mem>>)
    %dma_start3A_72 = arith.constant 0 : i32
    %dma_start3A_73 = tpu.memref_slice %arg7[%add3A_67, %dma_start3A_72] : memref<16384x128xf32, #tpu.memory_space<hbm>> -> memref<128x128xf32, #tpu.memory_space<hbm>>
    %dma_start3A_74 = arith.constant 0 : i32
    %dma_start3A_75 = tpu.memref_slice %arg7[%add3A_67, %dma_start3A_74] : memref<16384x128xf32, #tpu.memory_space<hbm>> -> memref<128x128xf32, #tpu.memory_space<hbm>>
    tpu.enqueue_dma source(%arg16 : memref<128x128xf32, #tpu.memory_space<vmem>>) target(%dma_start3A_75 : memref<128x128xf32, #tpu.memory_space<hbm>>) target_semaphore(%arg19 : memref<!tpu.dma_semaphore, #tpu.memory_space<semaphore_mem>>)
    %dma_wait3A_76 = arith.constant 0 : i32
    %dma_wait3A_77 = tpu.memref_slice %arg10[%dma_wait3A_76] : memref<512xi32, #tpu.memory_space<vmem>> -> memref<128xi32, #tpu.memory_space<vmem>>
    %dma_wait3A_78 = arith.constant 0 : i32
    %dma_wait3A_79 = arith.constant 0 : i32
    %dma_wait3A_80 = tpu.memref_slice %arg4[%dma_wait3A_78, %dma_wait3A_79] : memref<500000x128xf32, #tpu.memory_space<hbm>> -> memref<500000x128xf32, #tpu.memory_space<hbm>>
    tpu.wait_indirect_dma semaphore(%arg18 : memref<!tpu.dma_semaphore, #tpu.memory_space<semaphore_mem>>) src(%dma_wait3A_80 : memref<500000x128xf32, #tpu.memory_space<hbm>>) dst(%arg14 : memref<128x128xf32, #tpu.memory_space<vmem>>)
    %dma_wait3A_81 = arith.constant 0 : i32
    %dma_wait3A_82 = tpu.memref_slice %arg11[%dma_wait3A_81] : memref<512xi32, #tpu.memory_space<vmem>> -> memref<128xi32, #tpu.memory_space<vmem>>
    %dma_wait3A_83 = arith.constant 0 : i32
    %dma_wait3A_84 = arith.constant 0 : i32
    %dma_wait3A_85 = tpu.memref_slice %arg5[%dma_wait3A_83, %dma_wait3A_84] : memref<500000x128xf32, #tpu.memory_space<hbm>> -> memref<500000x128xf32, #tpu.memory_space<hbm>>
    tpu.wait_indirect_dma semaphore(%arg18 : memref<!tpu.dma_semaphore, #tpu.memory_space<semaphore_mem>>) src(%dma_wait3A_85 : memref<500000x128xf32, #tpu.memory_space<hbm>>) dst(%arg17 : memref<128x128xf32, #tpu.memory_space<vmem>>)
    %add3A_86 = arith.constant 256 : i32
    %add3A_87 = arith.addi %mul3A_2, %add3A_86 : i32
    %dma_start3A_88 = arith.constant 0 : i32
    %dma_start3A_89 = tpu.memref_slice %arg6[%add3A_87, %dma_start3A_88] : memref<16384x128xf32, #tpu.memory_space<hbm>> -> memref<128x128xf32, #tpu.memory_space<hbm>>
    %dma_start3A_90 = arith.constant 0 : i32
    %dma_start3A_91 = tpu.memref_slice %arg6[%add3A_87, %dma_start3A_90] : memref<16384x128xf32, #tpu.memory_space<hbm>> -> memref<128x128xf32, #tpu.memory_space<hbm>>
    tpu.enqueue_dma source(%arg14 : memref<128x128xf32, #tpu.memory_space<vmem>>) target(%dma_start3A_91 : memref<128x128xf32, #tpu.memory_space<hbm>>) target_semaphore(%arg19 : memref<!tpu.dma_semaphore, #tpu.memory_space<semaphore_mem>>)
    %dma_start3A_92 = arith.constant 0 : i32
    %dma_start3A_93 = tpu.memref_slice %arg7[%add3A_87, %dma_start3A_92] : memref<16384x128xf32, #tpu.memory_space<hbm>> -> memref<128x128xf32, #tpu.memory_space<hbm>>
    %dma_start3A_94 = arith.constant 0 : i32
    %dma_start3A_95 = tpu.memref_slice %arg7[%add3A_87, %dma_start3A_94] : memref<16384x128xf32, #tpu.memory_space<hbm>> -> memref<128x128xf32, #tpu.memory_space<hbm>>
    tpu.enqueue_dma source(%arg17 : memref<128x128xf32, #tpu.memory_space<vmem>>) target(%dma_start3A_95 : memref<128x128xf32, #tpu.memory_space<hbm>>) target_semaphore(%arg19 : memref<!tpu.dma_semaphore, #tpu.memory_space<semaphore_mem>>)
    %dma_wait3A_96 = arith.constant 0 : i32
    %dma_wait3A_97 = tpu.memref_slice %arg6[%mul3A_2, %dma_wait3A_96] : memref<16384x128xf32, #tpu.memory_space<hbm>> -> memref<128x128xf32, #tpu.memory_space<hbm>>
    %dma_wait3A_98 = arith.constant 0 : i32
    %dma_wait3A_99 = tpu.memref_slice %arg6[%mul3A_2, %dma_wait3A_98] : memref<16384x128xf32, #tpu.memory_space<hbm>> -> memref<128x128xf32, #tpu.memory_space<hbm>>
    tpu.wait_dma2 semaphore(%arg19 : memref<!tpu.dma_semaphore, #tpu.memory_space<semaphore_mem>>) src(%arg12 : memref<128x128xf32, #tpu.memory_space<vmem>>) dst(%dma_wait3A_99 : memref<128x128xf32, #tpu.memory_space<hbm>>)
    %dma_wait3A_100 = arith.constant 0 : i32
    %dma_wait3A_101 = tpu.memref_slice %arg7[%mul3A_2, %dma_wait3A_100] : memref<16384x128xf32, #tpu.memory_space<hbm>> -> memref<128x128xf32, #tpu.memory_space<hbm>>
    %dma_wait3A_102 = arith.constant 0 : i32
    %dma_wait3A_103 = tpu.memref_slice %arg7[%mul3A_2, %dma_wait3A_102] : memref<16384x128xf32, #tpu.memory_space<hbm>> -> memref<128x128xf32, #tpu.memory_space<hbm>>
    tpu.wait_dma2 semaphore(%arg19 : memref<!tpu.dma_semaphore, #tpu.memory_space<semaphore_mem>>) src(%arg15 : memref<128x128xf32, #tpu.memory_space<vmem>>) dst(%dma_wait3A_103 : memref<128x128xf32, #tpu.memory_space<hbm>>)
    %dma_start3A_104 = arith.constant 384 : i32
    %dma_start3A_105 = tpu.memref_slice %arg10[%dma_start3A_104] : memref<512xi32, #tpu.memory_space<vmem>> -> memref<128xi32, #tpu.memory_space<vmem>>
    %dma_start3A_106 = arith.constant 0 : i32
    %dma_start3A_107 = arith.constant 0 : i32
    %dma_start3A_108 = tpu.memref_slice %arg4[%dma_start3A_106, %dma_start3A_107] : memref<500000x128xf32, #tpu.memory_space<hbm>> -> memref<500000x128xf32, #tpu.memory_space<hbm>>
    tpu.enqueue_indirect_dma source(%dma_start3A_108 : memref<500000x128xf32, #tpu.memory_space<hbm>>) target(%arg12 : memref<128x128xf32, #tpu.memory_space<vmem>>) offsets(%dma_start3A_105 : memref<128xi32, #tpu.memory_space<vmem>>) semaphore(%arg18 : memref<!tpu.dma_semaphore, #tpu.memory_space<semaphore_mem>>)
    %dma_start3A_109 = arith.constant 384 : i32
    %dma_start3A_110 = tpu.memref_slice %arg11[%dma_start3A_109] : memref<512xi32, #tpu.memory_space<vmem>> -> memref<128xi32, #tpu.memory_space<vmem>>
    %dma_start3A_111 = arith.constant 0 : i32
    %dma_start3A_112 = arith.constant 0 : i32
    %dma_start3A_113 = tpu.memref_slice %arg5[%dma_start3A_111, %dma_start3A_112] : memref<500000x128xf32, #tpu.memory_space<hbm>> -> memref<500000x128xf32, #tpu.memory_space<hbm>>
    tpu.enqueue_indirect_dma source(%dma_start3A_113 : memref<500000x128xf32, #tpu.memory_space<hbm>>) target(%arg15 : memref<128x128xf32, #tpu.memory_space<vmem>>) offsets(%dma_start3A_110 : memref<128xi32, #tpu.memory_space<vmem>>) semaphore(%arg18 : memref<!tpu.dma_semaphore, #tpu.memory_space<semaphore_mem>>)
    %dma_wait3A_114 = arith.constant 0 : i32
    %dma_wait3A_115 = tpu.memref_slice %arg10[%dma_wait3A_114] : memref<512xi32, #tpu.memory_space<vmem>> -> memref<128xi32, #tpu.memory_space<vmem>>
    %dma_wait3A_116 = arith.constant 0 : i32
    %dma_wait3A_117 = arith.constant 0 : i32
    %dma_wait3A_118 = tpu.memref_slice %arg4[%dma_wait3A_116, %dma_wait3A_117] : memref<500000x128xf32, #tpu.memory_space<hbm>> -> memref<500000x128xf32, #tpu.memory_space<hbm>>
    tpu.wait_indirect_dma semaphore(%arg18 : memref<!tpu.dma_semaphore, #tpu.memory_space<semaphore_mem>>) src(%dma_wait3A_118 : memref<500000x128xf32, #tpu.memory_space<hbm>>) dst(%arg12 : memref<128x128xf32, #tpu.memory_space<vmem>>)
    %dma_wait3A_119 = arith.constant 0 : i32
    %dma_wait3A_120 = tpu.memref_slice %arg11[%dma_wait3A_119] : memref<512xi32, #tpu.memory_space<vmem>> -> memref<128xi32, #tpu.memory_space<vmem>>
    %dma_wait3A_121 = arith.constant 0 : i32
    %dma_wait3A_122 = arith.constant 0 : i32
    %dma_wait3A_123 = tpu.memref_slice %arg5[%dma_wait3A_121, %dma_wait3A_122] : memref<500000x128xf32, #tpu.memory_space<hbm>> -> memref<500000x128xf32, #tpu.memory_space<hbm>>
    tpu.wait_indirect_dma semaphore(%arg18 : memref<!tpu.dma_semaphore, #tpu.memory_space<semaphore_mem>>) src(%dma_wait3A_123 : memref<500000x128xf32, #tpu.memory_space<hbm>>) dst(%arg15 : memref<128x128xf32, #tpu.memory_space<vmem>>)
    %add3A_124 = arith.constant 384 : i32
    %add3A_125 = arith.addi %mul3A_2, %add3A_124 : i32
    %dma_start3A_126 = arith.constant 0 : i32
    %dma_start3A_127 = tpu.memref_slice %arg6[%add3A_125, %dma_start3A_126] : memref<16384x128xf32, #tpu.memory_space<hbm>> -> memref<128x128xf32, #tpu.memory_space<hbm>>
    %dma_start3A_128 = arith.constant 0 : i32
    %dma_start3A_129 = tpu.memref_slice %arg6[%add3A_125, %dma_start3A_128] : memref<16384x128xf32, #tpu.memory_space<hbm>> -> memref<128x128xf32, #tpu.memory_space<hbm>>
    tpu.enqueue_dma source(%arg12 : memref<128x128xf32, #tpu.memory_space<vmem>>) target(%dma_start3A_129 : memref<128x128xf32, #tpu.memory_space<hbm>>) target_semaphore(%arg19 : memref<!tpu.dma_semaphore, #tpu.memory_space<semaphore_mem>>)
    %dma_start3A_130 = arith.constant 0 : i32
    %dma_start3A_131 = tpu.memref_slice %arg7[%add3A_125, %dma_start3A_130] : memref<16384x128xf32, #tpu.memory_space<hbm>> -> memref<128x128xf32, #tpu.memory_space<hbm>>
    %dma_start3A_132 = arith.constant 0 : i32
    %dma_start3A_133 = tpu.memref_slice %arg7[%add3A_125, %dma_start3A_132] : memref<16384x128xf32, #tpu.memory_space<hbm>> -> memref<128x128xf32, #tpu.memory_space<hbm>>
    tpu.enqueue_dma source(%arg15 : memref<128x128xf32, #tpu.memory_space<vmem>>) target(%dma_start3A_133 : memref<128x128xf32, #tpu.memory_space<hbm>>) target_semaphore(%arg19 : memref<!tpu.dma_semaphore, #tpu.memory_space<semaphore_mem>>)
    %dma_wait3A_134 = arith.constant 0 : i32
    %dma_wait3A_135 = tpu.memref_slice %arg6[%mul3A_2, %dma_wait3A_134] : memref<16384x128xf32, #tpu.memory_space<hbm>> -> memref<128x128xf32, #tpu.memory_space<hbm>>
    %dma_wait3A_136 = arith.constant 0 : i32
    %dma_wait3A_137 = tpu.memref_slice %arg6[%mul3A_2, %dma_wait3A_136] : memref<16384x128xf32, #tpu.memory_space<hbm>> -> memref<128x128xf32, #tpu.memory_space<hbm>>
    tpu.wait_dma2 semaphore(%arg19 : memref<!tpu.dma_semaphore, #tpu.memory_space<semaphore_mem>>) src(%arg13 : memref<128x128xf32, #tpu.memory_space<vmem>>) dst(%dma_wait3A_137 : memref<128x128xf32, #tpu.memory_space<hbm>>)
    %dma_wait3A_138 = arith.constant 0 : i32
    %dma_wait3A_139 = tpu.memref_slice %arg7[%mul3A_2, %dma_wait3A_138] : memref<16384x128xf32, #tpu.memory_space<hbm>> -> memref<128x128xf32, #tpu.memory_space<hbm>>
    %dma_wait3A_140 = arith.constant 0 : i32
    %dma_wait3A_141 = tpu.memref_slice %arg7[%mul3A_2, %dma_wait3A_140] : memref<16384x128xf32, #tpu.memory_space<hbm>> -> memref<128x128xf32, #tpu.memory_space<hbm>>
    tpu.wait_dma2 semaphore(%arg19 : memref<!tpu.dma_semaphore, #tpu.memory_space<semaphore_mem>>) src(%arg16 : memref<128x128xf32, #tpu.memory_space<vmem>>) dst(%dma_wait3A_141 : memref<128x128xf32, #tpu.memory_space<hbm>>)
    %dma_wait3A_142 = arith.constant 0 : i32
    %dma_wait3A_143 = tpu.memref_slice %arg6[%mul3A_2, %dma_wait3A_142] : memref<16384x128xf32, #tpu.memory_space<hbm>> -> memref<128x128xf32, #tpu.memory_space<hbm>>
    %dma_wait3A_144 = arith.constant 0 : i32
    %dma_wait3A_145 = tpu.memref_slice %arg6[%mul3A_2, %dma_wait3A_144] : memref<16384x128xf32, #tpu.memory_space<hbm>> -> memref<128x128xf32, #tpu.memory_space<hbm>>
    tpu.wait_dma2 semaphore(%arg19 : memref<!tpu.dma_semaphore, #tpu.memory_space<semaphore_mem>>) src(%arg14 : memref<128x128xf32, #tpu.memory_space<vmem>>) dst(%dma_wait3A_145 : memref<128x128xf32, #tpu.memory_space<hbm>>)
    %dma_wait3A_146 = arith.constant 0 : i32
    %dma_wait3A_147 = tpu.memref_slice %arg7[%mul3A_2, %dma_wait3A_146] : memref<16384x128xf32, #tpu.memory_space<hbm>> -> memref<128x128xf32, #tpu.memory_space<hbm>>
    %dma_wait3A_148 = arith.constant 0 : i32
    %dma_wait3A_149 = tpu.memref_slice %arg7[%mul3A_2, %dma_wait3A_148] : memref<16384x128xf32, #tpu.memory_space<hbm>> -> memref<128x128xf32, #tpu.memory_space<hbm>>
    tpu.wait_dma2 semaphore(%arg19 : memref<!tpu.dma_semaphore, #tpu.memory_space<semaphore_mem>>) src(%arg17 : memref<128x128xf32, #tpu.memory_space<vmem>>) dst(%dma_wait3A_149 : memref<128x128xf32, #tpu.memory_space<hbm>>)
    %dma_wait3A_150 = arith.constant 0 : i32
    %dma_wait3A_151 = tpu.memref_slice %arg6[%mul3A_2, %dma_wait3A_150] : memref<16384x128xf32, #tpu.memory_space<hbm>> -> memref<128x128xf32, #tpu.memory_space<hbm>>
    %dma_wait3A_152 = arith.constant 0 : i32
    %dma_wait3A_153 = tpu.memref_slice %arg6[%mul3A_2, %dma_wait3A_152] : memref<16384x128xf32, #tpu.memory_space<hbm>> -> memref<128x128xf32, #tpu.memory_space<hbm>>
    tpu.wait_dma2 semaphore(%arg19 : memref<!tpu.dma_semaphore, #tpu.memory_space<semaphore_mem>>) src(%arg12 : memref<128x128xf32, #tpu.memory_space<vmem>>) dst(%dma_wait3A_153 : memref<128x128xf32, #tpu.memory_space<hbm>>)
    %dma_wait3A_154 = arith.constant 0 : i32
    %dma_wait3A_155 = tpu.memref_slice %arg7[%mul3A_2, %dma_wait3A_154] : memref<16384x128xf32, #tpu.memory_space<hbm>> -> memref<128x128xf32, #tpu.memory_space<hbm>>
    %dma_wait3A_156 = arith.constant 0 : i32
    %dma_wait3A_157 = tpu.memref_slice %arg7[%mul3A_2, %dma_wait3A_156] : memref<16384x128xf32, #tpu.memory_space<hbm>> -> memref<128x128xf32, #tpu.memory_space<hbm>>
    tpu.wait_dma2 semaphore(%arg19 : memref<!tpu.dma_semaphore, #tpu.memory_space<semaphore_mem>>) src(%arg15 : memref<128x128xf32, #tpu.memory_space<vmem>>) dst(%dma_wait3A_157 : memref<128x128xf32, #tpu.memory_space<hbm>>)
    return
  }
}

module attributes {stable_mosaic.version = 14 : i64} {
  func.func @_mlp_body(%arg0: i32, %arg1: memref<2048x128xf32, #tpu.memory_space<vmem>>, %arg2: memref<2048x128xf32, #tpu.memory_space<vmem>>, %arg3: memref<2048x1xi32, #tpu.memory_space<vmem>>, %arg4: memref<2048x1xi32, #tpu.memory_space<vmem>>, %arg5: memref<64x128xf32, #tpu.memory_space<vmem>>, %arg6: memref<64x128xf32, #tpu.memory_space<vmem>>, %arg7: memref<1x128xf32, #tpu.memory_space<vmem>>, %arg8: memref<128x64xf32, #tpu.memory_space<vmem>>, %arg9: memref<1x64xf32, #tpu.memory_space<vmem>>, %arg10: memref<64x1xf32, #tpu.memory_space<vmem>>, %arg11: memref<1x1xf32, #tpu.memory_space<vmem>>, %arg12: memref<2048x1xf32, #tpu.memory_space<vmem>>) attributes {dimension_semantics = [#tpu.dimension_semantics<arbitrary>], iteration_bounds = array<i64: 8>, scalar_prefetch = 0 : i64, scratch_operands = 0 : i64, tpu.core_type = #tpu.core_type<tc>, window_params = [{transform_indices = @transform_0, window_bounds = array<i64: 2048, 128>}, {transform_indices = @transform_1, window_bounds = array<i64: 2048, 128>}, {transform_indices = @transform_2, window_bounds = array<i64: 2048, 1>}, {transform_indices = @transform_3, window_bounds = array<i64: 2048, 1>}, {pipeline_mode = #tpu.pipeline_mode<synchronous>, transform_indices = @transform_4, window_bounds = array<i64: 64, 128>}, {pipeline_mode = #tpu.pipeline_mode<synchronous>, transform_indices = @transform_5, window_bounds = array<i64: 64, 128>}, {pipeline_mode = #tpu.pipeline_mode<synchronous>, transform_indices = @transform_6, window_bounds = array<i64: 1, 128>}, {pipeline_mode = #tpu.pipeline_mode<synchronous>, transform_indices = @transform_7, window_bounds = array<i64: 128, 64>}, {pipeline_mode = #tpu.pipeline_mode<synchronous>, transform_indices = @transform_8, window_bounds = array<i64: 1, 64>}, {pipeline_mode = #tpu.pipeline_mode<synchronous>, transform_indices = @transform_9, window_bounds = array<i64: 64, 1>}, {pipeline_mode = #tpu.pipeline_mode<synchronous>, transform_indices = @transform_10, window_bounds = array<i64: 1, 1>}, {transform_indices = @transform_11, window_bounds = array<i64: 2048, 1>}]} {
    %get3A = arith.constant 0 : index
    %get3A_0 = arith.constant 0 : index
    %get3A_1 = vector.load %arg3[%get3A, %get3A_0] : memref<2048x1xi32, #tpu.memory_space<vmem>>, vector<2048x1xi32>
    %and3A = arith.constant 1 : i32
    %and3A_2 = vector.broadcast %and3A : i32 to vector<2048x1xi32>
    %and3A_3 = arith.andi %get3A_1, %and3A_2 : vector<2048x1xi32>
    %eq3A = arith.constant 0 : i32
    %eq3A_4 = vector.broadcast %eq3A : i32 to vector<2048x1xi32>
    %eq3A_5 = arith.cmpi eq, %and3A_3, %eq3A_4 : vector<2048x1xi32>
    %get3A_6 = arith.constant 0 : index
    %get3A_7 = arith.constant 0 : index
    %get3A_8 = vector.load %arg4[%get3A_6, %get3A_7] : memref<2048x1xi32, #tpu.memory_space<vmem>>, vector<2048x1xi32>
    %and3A_9 = arith.constant 1 : i32
    %and3A_10 = vector.broadcast %and3A_9 : i32 to vector<2048x1xi32>
    %and3A_11 = arith.andi %get3A_8, %and3A_10 : vector<2048x1xi32>
    %eq3A_12 = arith.constant 0 : i32
    %eq3A_13 = vector.broadcast %eq3A_12 : i32 to vector<2048x1xi32>
    %eq3A_14 = arith.cmpi eq, %and3A_11, %eq3A_13 : vector<2048x1xi32>
    %get3A_15 = arith.constant 0 : index
    %get3A_16 = arith.constant 0 : index
    %get3A_17 = vector.load %arg1[%get3A_15, %get3A_16] : memref<2048x128xf32, #tpu.memory_space<vmem>>, vector<2048x64xf32>
    %get3A_18 = arith.constant 0 : index
    %get3A_19 = arith.constant 64 : index
    %get3A_20 = vector.load %arg1[%get3A_18, %get3A_19] : memref<2048x128xf32, #tpu.memory_space<vmem>>, vector<2048x64xf32>
    %broadcast_in_dim3A = vector.shape_cast %eq3A_5 : vector<2048x1xi1> to vector<2048x1xi1>
    %broadcast_in_dim3A_21 = vector.broadcast %broadcast_in_dim3A : vector<2048x1xi1> to vector<2048x64xi1>
    %select_n3A = arith.select %broadcast_in_dim3A_21, %get3A_17, %get3A_20 : vector<2048x64xi1>, vector<2048x64xf32>
    %get3A_22 = arith.constant 0 : index
    %get3A_23 = arith.constant 0 : index
    %get3A_24 = vector.load %arg2[%get3A_22, %get3A_23] : memref<2048x128xf32, #tpu.memory_space<vmem>>, vector<2048x64xf32>
    %get3A_25 = arith.constant 0 : index
    %get3A_26 = arith.constant 64 : index
    %get3A_27 = vector.load %arg2[%get3A_25, %get3A_26] : memref<2048x128xf32, #tpu.memory_space<vmem>>, vector<2048x64xf32>
    %broadcast_in_dim3A_28 = vector.shape_cast %eq3A_14 : vector<2048x1xi1> to vector<2048x1xi1>
    %broadcast_in_dim3A_29 = vector.broadcast %broadcast_in_dim3A_28 : vector<2048x1xi1> to vector<2048x64xi1>
    %select_n3A_30 = arith.select %broadcast_in_dim3A_29, %get3A_24, %get3A_27 : vector<2048x64xi1>, vector<2048x64xf32>
    %get3A_31 = arith.constant 0 : index
    %get3A_32 = arith.constant 0 : index
    %get3A_33 = vector.load %arg5[%get3A_31, %get3A_32] : memref<64x128xf32, #tpu.memory_space<vmem>>, vector<64x128xf32>
    %dot_general3A = arith.constant dense<0.000000e+00> : vector<2048x128xf32>
    %dot_general3A_34 = tpu.matmul %select_n3A, %get3A_33, %dot_general3A {dimension_numbers = #tpu.dot_dimension_numbers<[1], [0], [0], [1], [0, 0, 1, 1], [], []>, transpose_lhs_hint = false} : vector<2048x64xf32>, vector<64x128xf32>, vector<2048x128xf32> -> vector<2048x128xf32>
    %get3A_35 = arith.constant 0 : index
    %get3A_36 = arith.constant 0 : index
    %get3A_37 = vector.load %arg6[%get3A_35, %get3A_36] : memref<64x128xf32, #tpu.memory_space<vmem>>, vector<64x128xf32>
    %dot_general3A_38 = arith.constant dense<0.000000e+00> : vector<2048x128xf32>
    %dot_general3A_39 = tpu.matmul %select_n3A_30, %get3A_37, %dot_general3A_38 {dimension_numbers = #tpu.dot_dimension_numbers<[1], [0], [0], [1], [0, 0, 1, 1], [], []>, transpose_lhs_hint = false} : vector<2048x64xf32>, vector<64x128xf32>, vector<2048x128xf32> -> vector<2048x128xf32>
    %add3A = arith.addf %dot_general3A_34, %dot_general3A_39 : vector<2048x128xf32>
    %get3A_40 = arith.constant 0 : index
    %get3A_41 = arith.constant 0 : index
    %get3A_42 = vector.load %arg7[%get3A_40, %get3A_41] : memref<1x128xf32, #tpu.memory_space<vmem>>, vector<1x128xf32>
    %add3A_43 = vector.broadcast %get3A_42 : vector<1x128xf32> to vector<2048x128xf32>
    %add3A_44 = arith.addf %add3A, %add3A_43 : vector<2048x128xf32>
    %max3A = arith.constant 0.000000e+00 : f32
    %max3A_45 = vector.broadcast %max3A : f32 to vector<2048x128xf32>
    %max3A_46 = arith.maximumf %add3A_44, %max3A_45 : vector<2048x128xf32>
    %get3A_47 = arith.constant 0 : index
    %get3A_48 = arith.constant 0 : index
    %get3A_49 = vector.load %arg8[%get3A_47, %get3A_48] : memref<128x64xf32, #tpu.memory_space<vmem>>, vector<128x64xf32>
    %dot_general3A_50 = arith.constant dense<0.000000e+00> : vector<2048x64xf32>
    %dot_general3A_51 = tpu.matmul %max3A_46, %get3A_49, %dot_general3A_50 {dimension_numbers = #tpu.dot_dimension_numbers<[1], [0], [0], [1], [0, 0, 1, 1], [], []>, transpose_lhs_hint = false} : vector<2048x128xf32>, vector<128x64xf32>, vector<2048x64xf32> -> vector<2048x64xf32>
    %get3A_52 = arith.constant 0 : index
    %get3A_53 = arith.constant 0 : index
    %get3A_54 = vector.load %arg9[%get3A_52, %get3A_53] : memref<1x64xf32, #tpu.memory_space<vmem>>, vector<1x64xf32>
    %add3A_55 = vector.broadcast %get3A_54 : vector<1x64xf32> to vector<2048x64xf32>
    %add3A_56 = arith.addf %dot_general3A_51, %add3A_55 : vector<2048x64xf32>
    %max3A_57 = arith.constant 0.000000e+00 : f32
    %max3A_58 = vector.broadcast %max3A_57 : f32 to vector<2048x64xf32>
    %max3A_59 = arith.maximumf %add3A_56, %max3A_58 : vector<2048x64xf32>
    %get3A_60 = arith.constant 0 : index
    %get3A_61 = arith.constant 0 : index
    %get3A_62 = vector.load %arg10[%get3A_60, %get3A_61] : memref<64x1xf32, #tpu.memory_space<vmem>>, vector<64x1xf32>
    %dot_general3A_63 = arith.constant dense<0.000000e+00> : vector<2048x1xf32>
    %dot_general3A_64 = tpu.matmul %max3A_59, %get3A_62, %dot_general3A_63 {dimension_numbers = #tpu.dot_dimension_numbers<[1], [0], [0], [1], [0, 0, 1, 1], [], []>, transpose_lhs_hint = false} : vector<2048x64xf32>, vector<64x1xf32>, vector<2048x1xf32> -> vector<2048x1xf32>
    %get3A_65 = arith.constant 0 : index
    %get3A_66 = arith.constant 0 : index
    %get3A_67 = vector.load %arg11[%get3A_65, %get3A_66] : memref<1x1xf32, #tpu.memory_space<vmem>>, vector<1x1xf32>
    %add3A_68 = vector.broadcast %get3A_67 : vector<1x1xf32> to vector<2048x1xf32>
    %add3A_69 = arith.addf %dot_general3A_64, %add3A_68 : vector<2048x1xf32>
    %logistic3A = arith.negf %add3A_69 : vector<2048x1xf32>
    %logistic3A_70 = math.exp %logistic3A : vector<2048x1xf32>
    %logistic3A_71 = arith.constant 1.000000e+00 : f32
    %logistic3A_72 = vector.broadcast %logistic3A_71 : f32 to vector<2048x1xf32>
    %logistic3A_73 = arith.addf %logistic3A_72, %logistic3A_70 : vector<2048x1xf32>
    %logistic3A_74 = arith.divf %logistic3A_72, %logistic3A_73 : vector<2048x1xf32>
    %swap3A = arith.constant 0 : index
    %swap3A_75 = arith.constant 0 : index
    %swap3A_76 = vector.load %arg12[%swap3A, %swap3A_75] : memref<2048x1xf32, #tpu.memory_space<vmem>>, vector<2048x1xf32>
    tpu.vector_store %arg12[%swap3A, %swap3A_75], %logistic3A_74 {strides = array<i32>} : memref<2048x1xf32, #tpu.memory_space<vmem>>, vector<2048x1xf32>,
    return
  }
  func.func @transform_0(%arg0: i32) -> (i32, i32) {
    %c0_i32 = arith.constant 0 : i32
    %c0_i32_0 = arith.constant 0 : i32
    return %arg0, %c0_i32 : i32, i32
  }
  func.func @transform_1(%arg0: i32) -> (i32, i32) {
    %c0_i32 = arith.constant 0 : i32
    %c0_i32_0 = arith.constant 0 : i32
    return %arg0, %c0_i32 : i32, i32
  }
  func.func @transform_2(%arg0: i32) -> (i32, i32) {
    %c0_i32 = arith.constant 0 : i32
    %c0_i32_0 = arith.constant 0 : i32
    return %arg0, %c0_i32 : i32, i32
  }
  func.func @transform_3(%arg0: i32) -> (i32, i32) {
    %c0_i32 = arith.constant 0 : i32
    %c0_i32_0 = arith.constant 0 : i32
    return %arg0, %c0_i32 : i32, i32
  }
  func.func @transform_4(%arg0: i32) -> (i32, i32) {
    %c0_i32 = arith.constant 0 : i32
    %c0_i32_0 = arith.constant 0 : i32
    %c0_i32_1 = arith.constant 0 : i32
    return %c0_i32, %c0_i32_0 : i32, i32
  }
  func.func @transform_5(%arg0: i32) -> (i32, i32) {
    %c0_i32 = arith.constant 0 : i32
    %c0_i32_0 = arith.constant 0 : i32
    %c0_i32_1 = arith.constant 0 : i32
    return %c0_i32, %c0_i32_0 : i32, i32
  }
  func.func @transform_6(%arg0: i32) -> (i32, i32) {
    %c0_i32 = arith.constant 0 : i32
    %c0_i32_0 = arith.constant 0 : i32
    %c0_i32_1 = arith.constant 0 : i32
    return %c0_i32, %c0_i32_0 : i32, i32
  }
  func.func @transform_7(%arg0: i32) -> (i32, i32) {
    %c0_i32 = arith.constant 0 : i32
    %c0_i32_0 = arith.constant 0 : i32
    %c0_i32_1 = arith.constant 0 : i32
    return %c0_i32, %c0_i32_0 : i32, i32
  }
  func.func @transform_8(%arg0: i32) -> (i32, i32) {
    %c0_i32 = arith.constant 0 : i32
    %c0_i32_0 = arith.constant 0 : i32
    %c0_i32_1 = arith.constant 0 : i32
    return %c0_i32, %c0_i32_0 : i32, i32
  }
  func.func @transform_9(%arg0: i32) -> (i32, i32) {
    %c0_i32 = arith.constant 0 : i32
    %c0_i32_0 = arith.constant 0 : i32
    %c0_i32_1 = arith.constant 0 : i32
    return %c0_i32, %c0_i32_0 : i32, i32
  }
  func.func @transform_10(%arg0: i32) -> (i32, i32) {
    %c0_i32 = arith.constant 0 : i32
    %c0_i32_0 = arith.constant 0 : i32
    %c0_i32_1 = arith.constant 0 : i32
    return %c0_i32, %c0_i32_0 : i32, i32
  }
  func.func @transform_11(%arg0: i32) -> (i32, i32) {
    %c0_i32 = arith.constant 0 : i32
    %c0_i32_0 = arith.constant 0 : i32
    return %arg0, %c0_i32 : i32, i32
  }
}

</mosaic_0001>

<sc_bundles>
// kernel: kernel.4.cloned.1.call-start
scs
__scs_entry_jumppad:
0x0: {  	(pc) =	sbr.rel $0x88, $3  }
0x1: {  	(tag) =	ssettag $0x0;
	lr =	simm.s32 $0x1  }
0x2: {  	[smem:$0x3F97] =	sst lr;
	_ =	strace $0xD0000000  }
0x3: {  	_ = 	snop  }
0x4: {  	_ = 	snop  }
0x5: {  	_ = 	snop  }
0x6: {  	_ = 	snop  }
0x7: {  	_ = 	snop  }
__scs_overlays_trampoline_lowered:
0x8: {  	[smem:$0x3FA6] =	sst s0  }
0x9: {  	[smem:$0x3FA7] =	sst s1  }
0xa: {  	[smem:$0x3FA8] =	sst s2  }
0xb: {  	[smem:$0x3FA9] =	sst s3  }
0xc: {  	[smem:$0x3FAA] =	sst s4  }
0xd: {  	[smem:$0x3FAB] =	sst s5  }
0xe: {  	[smem:$0x3FAC] =	sst s6  }
0xf: {  	[smem:$0x3FAD] =	sst s7  }
0x10: {  	[smem:$0x3FAE] =	sst s8  }
0x11: {  	[smem:$0x3FAF] =	sst s9;
	s0 =	simm.s32 @!p0 $0x0  }
0x12: {  	s1 =	sld [smem:$0x3F95];
	s0 =	simm.s32 @p0 $0x1  }
0x13: {  	[smem:$0x3FB0] =	sst s0;
	s0 =	simm.s32 @!p1 $0x0  }
0x14: {  	s2 =	sld [smem:$0x3F94];
	s0 =	simm.s32 @p1 $0x1  }
0x15: {  	[smem:$0x3FB1] =	sst s0;
	s0 =	simm.s32 @!p2 $0x0  }
0x16: {  	s3 =	sld [smem:$0x3FDB];
	s0 =	simm.s32 @p2 $0x1  }
0x17: {  	s4 =	simm.s32 $0x1BF5;
	[smem:$0x3FB3] =	sst s0  }
0x18: {  	s0 =	sld [smem:$0x3F96];
	_ =	swait.ge [sflag:s4], $0x0  }
0x19: {  	s7 =	sld [smem:$0x3F97]  }
0x1a: {  	s8 =	sadd.s32 $0xFFFFE003, lr  }
0x1b: {  	s9 =	sadd.s32 $0xFFFFFEF7, lr;
	s5 =	simm.s32 $0xFFFFFFFF;
	p2 =	slt.u32 s8, $0xFFFFF086  }
0x1c: {  	p1 =	slt.u32 s9, $0xF7A;
	s5 =	simm.s32 @!p2 $0x0  }
0x1d: {  	s5 =	simm.s32 @p1 $0x1;
	p0 =	seq.s32 s7, s2  }
0x1e: {  	s7 =	smul.u32 @!p0 $0xF7A, s2;
	p2 =	seq.s32 @!p0 s5, $0x0  }
0x1f: {  	s9 =	smul.u32 $0xF7A, s1;
	s8 =	simm.s32 @!p0 $0x1BF5;
	p2 =	por !p2, p0  }
0x20: {  	[sflag:s8] =	ssyncset.s32 @!p0 $0xFFFFF086;
	s6 =	sadd.s32 @!p0 s3, s7;
	s7 =	simm.s32 @!p0 $0x108  }
0x21: {  	s3 =	sadd.s32 s3, s9;
	s6 =	sadd.s32 @!p0 $0x88, s6;
	s7 =	simm.s32 @p2 $0x1082  }
0x22: {  	[simem:s7], [sflag:s8] =	dma.local @!p0 [hbm:s6], $0xF7A  }
0x23: {  	s9 =	sor.u32 $0xD0000000, s2;
	s6 =	simm.s32 $0x108;
	_ =	swait.ge @!p0 [sflag:s8], $0x0  }
0x24: {  	s3 =	sadd.s32 $0x88, s3;
	s6 =	simm.s32 @!p1 $0x1082;
	[sflag:s4] =	ssyncset.s32 $0xFFFFF086  }
0x25: {  	[simem:s6], [sflag:s4] =	dma.local [hbm:s3], $0xF7A  }
0x26: {  	[smem:$0x3F97] =	sst s1;
	(tag) =	ssettag s2;
	_ =	strace s9  }
0x27: {  	s1 =	sld [smem:$0x3FA7]  }
0x28: {  	s2 =	sld [smem:$0x3FA8]  }
0x29: {  	s4 =	sld [smem:$0x3FAA]  }
0x2a: {  	p0 =	seq.s32 s5, $0x0;
	s5 =	sld [smem:$0x3FAB]  }
0x2b: {  	s6 =	sld [smem:$0x3FAC]  }
0x2c: {  	s7 =	sld [smem:$0x3FAD]  }
0x2d: {  	s3 =	simm.s32 $0x108;
	s8 =	sld [smem:$0x3FAE]  }
0x2e: {  	s3 =	simm.s32 @!p0 $0x1082;
	s9 =	sld [smem:$0x3FAF]  }
0x2f: {  	lr =	sadd.s32 s0, s3;
	s0 =	sld [smem:$0x3FA6]  }
0x30: {  	s3 =	sld [smem:$0x3FA9]  }
0x31: {  	[smem:$0x3FB2] =	sst s10  }
0x32: {  	s10 =	sld [smem:$0x3FB0];
	_ =	sdelay $0x3  }
0x33: {  	p0 =	seq.s32 s10, $0x1;
	s10 =	sld [smem:$0x3FB2];
	_ =	sdelay $0x3  }
0x34: {  	[smem:$0x3FB2] =	sst s10  }
0x35: {  	s10 =	sld [smem:$0x3FB1];
	_ =	sdelay $0x3  }
0x36: {  	p1 =	seq.s32 s10, $0x1;
	s10 =	sld [smem:$0x3FB2];
	_ =	sdelay $0x3  }
0x37: {  	[smem:$0x3FB2] =	sst s10  }
0x38: {  	s10 =	sld [smem:$0x3FB3]  }
0x39: {  	_ = 	snop;
	(pc) =	sbr.ind lr, $3  }
0x3a: {  	_ = 	snop  }
0x3b: {  	_ = 	snop  }
0x3c: {  	p2 =	seq.s32 s10, $0x1;
	s10 =	sld [smem:$0x3FB2]  }
0x3d: {  	_ =	shalt  }
0x3e: {  	_ =	shalt  }
0x3f: {  	_ =	shalt  }
0x40: {  	_ =	shalt  }
0x41: {  	_ =	shalt  }
0x42: {  	_ =	shalt  }
0x43: {  	_ =	shalt  }
0x44: {  	_ =	shalt  }
0x45: {  	_ =	shalt  }
0x46: {  	_ =	shalt  }
0x47: {  	_ =	shalt  }
0x48: {  	_ =	shalt  }
0x49: {  	_ =	shalt  }
0x4a: {  	_ =	shalt  }
0x4b: {  	_ =	shalt  }
0x4c: {  	_ =	shalt  }
0x4d: {  	_ =	shalt  }
0x4e: {  	_ =	shalt  }
0x4f: {  	_ =	shalt  }
0x50: {  	_ =	shalt  }
0x51: {  	_ =	shalt  }
0x52: {  	_ =	shalt  }
0x53: {  	_ =	shalt  }
0x54: {  	_ =	shalt  }
0x55: {  	_ =	shalt  }
0x56: {  	_ =	shalt  }
0x57: {  	_ =	shalt  }
0x58: {  	_ =	shalt  }
0x59: {  	_ =	shalt  }
0x5a: {  	_ =	shalt  }
0x5b: {  	_ =	shalt  }
0x5c: {  	_ =	shalt  }
0x5d: {  	_ =	shalt  }
0x5e: {  	_ =	shalt  }
0x5f: {  	_ =	shalt  }
0x60: {  	_ =	shalt  }
0x61: {  	_ =	shalt  }
0x62: {  	_ =	shalt  }
0x63: {  	_ =	shalt  }
0x64: {  	_ =	shalt  }
0x65: {  	_ =	shalt  }
0x66: {  	_ =	shalt  }
0x67: {  	_ =	shalt  }
0x68: {  	_ =	shalt  }
0x69: {  	_ =	shalt  }
0x6a: {  	_ =	shalt  }
0x6b: {  	_ =	shalt  }
0x6c: {  	_ =	shalt  }
0x6d: {  	_ =	shalt  }
0x6e: {  	_ =	shalt  }
0x6f: {  	_ =	shalt  }
0x70: {  	_ =	shalt  }
0x71: {  	_ =	shalt  }
0x72: {  	_ =	shalt  }
0x73: {  	_ =	shalt  }
0x74: {  	_ =	shalt  }
0x75: {  	_ =	shalt  }
0x76: {  	_ =	shalt  }
0x77: {  	_ =	shalt  }
0x78: {  	_ =	shalt  }
0x79: {  	_ =	shalt  }
0x7a: {  	_ =	shalt  }
0x7b: {  	_ =	shalt  }
0x7c: {  	_ =	shalt  }
0x7d: {  	_ =	shalt  }
0x7e: {  	_ =	shalt  }
0x7f: {  	_ =	shalt  }
0x80: {  	_ =	shalt  }
0x81: {  	_ =	shalt  }
0x82: {  	_ =	shalt  }
0x83: {  	_ =	shalt  }
0x84: {  	_ =	shalt  }
0x85: {  	_ =	shalt  }
0x86: {  	_ =	shalt  }
0x87: {  	_ =	shalt  }
.Lfunc_end0:
.L_simem_size_0:
called_computation_lowered:
.L_overlay_start_0:
0x88: {  	s2 =	sld [smem:$0x3FD9]  }
0x89: {  	s3 =	sld [smem:$0x3FFE];
	_ =	sdelay $0x1  }
0x8a: {  	s1 =	srdreg.scid  }
0x8b: {  	s0 =	sand.u32 $0x1, s1  }
0x8c: {  	s17 =	sshll.u32 s0, $0xA;
	s2 =	sadd.s32 s3, s2  }
0x8d: {  	s2 =	sadd.s32 s2, s17  }
0x8e: {  	[smem:$0x3FBE] =	sst s2  }
0x8f: {  	_ = 	snop  }
0x90: {  	s2 =	sld [smem:$0x3FC9]  }
0x91: {  	s18 =	sld [smem:$0x3FC8];
	(tm) =	ssettm $0x1  }
0x92: {  	s4 =	sld [smem:$0x3FFB];
	_ =	sdelay $0x3  }
0x93: {  	_ =	strace s4  }
0x94: {  	s4 =	sld [smem:$0x3FFC];
	_ =	sdelay $0x3  }
0x95: {  	_ =	strace s4  }
0x96: {  	s4 =	sld [smem:$0x3FFD];
	_ =	sdelay $0x3  }
0x97: {  	_ =	strace s4  }
0x98: {  	_ =	strace $0x8FFFFFFF  }
0x99: {  	s19 =	sld [smem:$0x3FDB];
	_ =	sdelay $0x1  }
0x9a: {  	s5 =	simm.s32 $_scs_section_size  }
0x9b: {  	s6 =	simm.s32 $_size__tile_overlayer_lowered;
	s7 =	simm.s32 $_tile_overlayer_lowered  }
0x9c: {  	s22 =	simm.s32 $0x1BFF;
	s21 =	sshll.u32 s7, $0x1;
	s4 =	sadd.s32 s5, s19  }
0x9d: {  	s8 =	simm.s32 $0x0;
	s20 =	sshll.u32 s6, $0x1;
	s6 =	sadd.s32 s21, s4  }
0x9e: {  	[timem:s8], [sflag:s22] =	dma.local [hbm:s6], s20  }
0x9f: {  	_ =	swait.ge [sflag:s22], s20  }
0xa0: {  	s5 =	ssub.s32 $0x0, s20;
	[sflag:s22] =	ssyncset.done $0x0  }
0xa1: {  	[sflag:s22] =	ssyncadd.s32 s5;
	_ =	sdelay $0x1  }
0xa2: {  	s23 =	simm.s32 $0x1B8B  }
0xa3: {  	_ =	swait.ge [sflag:s23], $0x1  }
0xa4: {  	[sflag:s23] =	ssyncset.done $0x0  }
0xa5: {  	s25 =	simm.s32 $0x1B8E;
	s24 =	sld [smem:$0x3FFE];
	[sflag:s23] =	ssyncadd.s32 $0xFFFFFFFF  }
0xa6: {  	s26 =	simm.s32 $execute0_lowered;
	[smem:$0x3FD2] =	sst s25  }
0xa7: {  	s6 =	sshll.u32 s26, $0x1;
	_ =	strace $0x80000046;
	[dreg:$0x1] =	wrdreg $0xFFFFFFFF  }
0xa8: {  	s28 =	simm.s32 $_size_execute0_lowered;
	s4 =	sadd.s32 s4, s6;
	[dreg:$0x0] =	wrdreg $0x0  }
0xa9: {  	s6 =	sshll.u32 s28, $0x1;
	[dreg:$0x2] =	wrdreg s4  }
0xaa: {  	[dreg:$0x3] =	wrdreg s6  }
0xab: {  	[dreg:$0x4] =	wrdreg $0xC0  }
0xac: {  	_ =	task [dreg:s8], $0x5FFFF  }
0xad: {  	[dreg:$0x1] =	wrdreg $0xFFFFFFFF  }
0xae: {  	[dreg:$0x0] =	wrdreg $0x60  }
0xaf: {  	[dreg:$0x2] =	wrdreg s2  }
0xb0: {  	[dreg:$0x3] =	wrdreg s18  }
0xb1: {  	[dreg:$0x4] =	wrdreg s24  }
0xb2: {  	[dreg:$0x5] =	wrdreg $0x9  }
0xb3: {  	_ =	task.clear_ibuf [dreg:s8], $0x6FFFF;
	_ =	strace $0x90000046  }
0xb4: {  	s29 =	simm.s32 $0x9;
	_ =	strace $0x80000048  }
0xb5: {  	_ =	swait.ge [sflag:s29], $0x1  }
0xb6: {  	[sflag:s29] =	ssyncadd.s32 $0xFFFFFFFF  }
0xb7: {  	_ =	strace $0x90000048  }
0xb8: {  	_ =	sfence  }
0xb9: {  	s30 =	sld [smem:$0x0];
	_ =	sdelay $0x2  }
0xba: {  	s31 =	sshll.u32 s1, $0xD;
	s1 =	sshrl.u32 s1, $0x2  }
0xbb: {  	s3 =	sand.u32 $0x4000, s31;
	s1 =	sadd.s32 s1, s30  }
0xbc: {  	s0 =	sor.u32 s3, s0;
	s1 =	sshll.u32 s1, $0x11  }
0xbd: {  	s0 =	sor.u32 s1, s0  }
0xbe: {  	s0 =	sadd.s32 $0x8F2B, s0  }
0xbf: {  	[sflag:s0] =	ssyncadd.remote.s32 $0x1  }
0xc0: {  	_ =	sfence.sel $0xFFFF  }
0xc1: {  	[dreg:$0x0] =	wrdreg $0xFFFFFFFF;
	(pc) =	sbr.abs _section_cstart, $3  }
0xc2: {  	[dreg:$0x1] =	wrdreg $0xFFFFFFFF  }
0xc3: {  	_ =	task.clear_ibuf [dreg:s8], $0x2FFFF;
	_ =	strace $0x9FFFFFFF  }
0xc4: {  	(tm) =	ssettm $0x7FFFFFFF  }
0xc5: {  	_ =	shalt  }
tec
execute0_lowered:
.L_overlay_start_1:
0x0: {  	(tag) =	ssettag $0x1  }
0x1: {  	s0 =	rddreg [dreg:$0x0]  }
0x2: {  	s2 =	rddreg [dreg:$0x1]  }
0x3: {  	s5 =	rddreg [dreg:$0x2];
	s1 =	simm.s32 $0x0  }
0x4: {  	s4 =	srdreg.scid;
	s7 =	stileid.u32;
	s16 =	simm.s32 $0x3  }
0x5: {  	s18 =	simm.s32 $0x80;
	s20 =	simm.s32 $0x800;
	s22 =	simm.s32 $0xC800  }
0x6: {  	s24 =	simm.s32 $0x4800;
	s29 =	simm.s32 $0x8800;
	s30 =	simm.s32 $0x700  }
0x7: {  	s31 =	simm.s32 $0x14800;
	s17 =	simm.s32 $0x580;
	s19 =	simm.s32 $0x780  }
0x8: {  	s21 =	simm.s32 $0x0;
	[smem:$0x7FF] =	sst s1;
	s3 =	sadd.s32 $0xF43A00, s5  }
0x9: {  	s6 =	sand.u32 $0x1, s4;
	s4 =	sadd.s32 $0x16E4C00, s5;
	s7 =	sshll.u32 s7, $0xA  }
0xa: {  	s13 =	sadd.s32 $0x1600, s5;
	s8 =	sshll.u32 s6, $0x9;
	s6 =	ssub.s32 $0x2, s6  }
0xb: {  	s14 =	sadd.s32 $0x41600, s5;
	s7 =	sor.u32 s8, s7;
	s25 =	sshrl.u32 s6, $0x1  }
0xc: {  	_ =	strace $0x80000047;
	s8 =	sshrl.u32 s7, $0x3;
	s15 =	ssub.s32 s6, s25  }
0xd: {  	s26 =	sshll.u32 s7, $0x4;
	s5 =	sadd.s32 s0, s8;
	s6 =	sadd.s32 s2, s8  }
0xe: {  	s7 =	sadd.s32 s13, s26;
	s28 =	sor.u32 $0x800, s26;
	s8 =	sadd.s32 s14, s26  }
0xf: {  	s12 =	sor.u32 $0x1000, s26;
	s0 =	sor.u32 $0x1800, s26;
	s15 =	smax.u32 s15, $0x1  }
0x10: {  	s26 =	simm.s32 $0x10800;
	s2 =	simm.s32 $0x2;
	s9 =	sadd.s32 s13, s28  }
0x11: {  	s10 =	sadd.s32 s14, s28;
	s11 =	sadd.s32 s13, s12;
	s12 =	sadd.s32 s14, s12  }
0x12: {  	s13 =	sadd.s32 s13, s0;
	s14 =	sadd.s32 s14, s0;
	s0 =	simm.s32 $0x1  }
.LBB2_1:
0x13: {  	[tilespmem:s1], [sflag:$0x3] =	stream.linear.gather [hbm4b:s5+s1], $0x200, $0x38;
	[tilespmem:$0x18800] =	vst v63  }
0x14: {  	_ =	swait.ge [sflag:s16], $0x200  }
0x15: {  	[sflag:s16] =	ssyncset.done $0x0  }
0x16: {  	s23 =	simm.s32 $0x200;
	[sflag:s16] =	ssyncadd.s32 $0xFFFFFE00  }
0x17: {  	[tilespmem:s23], [sflag:$0x3] =	stream.linear.gather [hbm4b:s6+s1], $0x200, $0x38;
	[tilespmem:$0x18800] =	vst v63  }
0x18: {  	_ =	swait.ge [sflag:s16], $0x200  }
0x19: {  	[sflag:s16] =	ssyncset.done $0x0  }
0x1a: {  	s23 =	simm.s32 $0x0;
	[sflag:s16] =	ssyncadd.s32 $0xFFFFFE00  }
0x1b: {  	v0 =	vld [tilespmem:s23+$0x200]  }
0x1c: {  	s25 =	simm.s32 $0x40;
	v1 =	vld [tilespmem:s23+$0x0]  }
.LBB2_2:
0x1d: {  	p0 =	sne.s32 s25, $0x7C0  }
.Ltmp0:
0x1e: {  	_ = 	snop;
	(pc) =	sbr.rel @p0 .LBB2_2-.Ltmp0, $4  }
0x1f: {  	_ = 	snop  }
0x20: {  	s28 =	sshra.s32 s25, $0x2;
	s25 =	sadd.s32 $0x40, s25;
	v2 =	vshrl.u32 v0, $0x1  }
0x21: {  	v0 =	vld [tilespmem:s28+$0x200];
	v3 =	vshrl.u32 v1, $0x1;
	[tilespmem:s23+$0x600] =	vst v2  }
0x22: {  	v1 =	vld [tilespmem:s28+$0x0];
	[tilespmem:s23+$0x400] =	vst v3;
	s23 =	smov.u32 s28  }
0x23: {  	_ =	sdelay $0x2  }
0x24: {  	v0 =	vshrl.u32 v0, $0x1  }
0x25: {  	v1 =	vshrl.u32 v1, $0x1;
	[tilespmem:s23+$0x600] =	vst v0  }
0x26: {  	s28 =	simm.s32 $0x400;
	[tilespmem:s23+$0x400] =	vst v1  }
0x27: {  	[tilespmem:s20], [sflag:$0x1] =	stream.indirect.gather [hbm4b:s3+s18], $0x80, s28, s18, $0xb8;
	[tilespmem:$0x18800] =	vst v63  }
0x28: {  	s25 =	simm.s32 $0x600  }
0x29: {  	[tilespmem:s22], [sflag:$0x1] =	stream.indirect.gather [hbm4b:s4+s18], $0x80, s25, s18, $0xb8;
	[tilespmem:$0x18800] =	vst v63  }
0x2a: {  	s28 =	simm.s32 $0x480  }
0x2b: {  	[tilespmem:s24], [sflag:$0x1] =	stream.indirect.gather [hbm4b:s3+s18], $0x80, s28, s18, $0xb8;
	[tilespmem:$0x18800] =	vst v63  }
0x2c: {  	s25 =	simm.s32 $0x680  }
0x2d: {  	[tilespmem:s26], [sflag:$0x1] =	stream.indirect.gather [hbm4b:s4+s18], $0x80, s25, s18, $0xb8;
	[tilespmem:$0x18800] =	vst v63  }
0x2e: {  	s28 =	simm.s32 $0x500  }
0x2f: {  	[tilespmem:s29], [sflag:$0x1] =	stream.indirect.gather [hbm4b:s3+s18], $0x80, s28, s18, $0xb8;
	[tilespmem:$0x18800] =	vst v63  }
0x30: {  	_ = 	snop  }
0x31: {  	[tilespmem:s31], [sflag:$0x1] =	stream.indirect.gather [hbm4b:s4+s18], $0x80, s30, s18, $0xb8;
	[tilespmem:$0x18800] =	vst v63  }
0x32: {  	_ =	swait.ge [sflag:s0], $0x4000  }
0x33: {  	[sflag:s0] =	ssyncset.done $0x0  }
0x34: {  	[sflag:s0] =	ssyncadd.s32 $0xFFFFC000  }
0x35: {  	_ =	swait.ge [sflag:s0], $0x4000  }
0x36: {  	[sflag:s0] =	ssyncset.done $0x0  }
0x37: {  	[sflag:s0] =	ssyncadd.s32 $0xFFFFC000  }
0x38: {  	[hbm4b:s7+s1] =	stream.linear.scatter [tilespmem:s20], [sflag:$0x2], $0x4000, $0x38;
	[tilespmem:$0x18800] =	vst v63  }
0x39: {  	_ = 	snop  }
0x3a: {  	[hbm4b:s8+s1] =	stream.linear.scatter [tilespmem:s22], [sflag:$0x2], $0x4000, $0x38;
	[tilespmem:$0x18800] =	vst v63  }
0x3b: {  	_ =	swait.ge [sflag:s0], $0x4000  }
0x3c: {  	[sflag:s0] =	ssyncset.done $0x0  }
0x3d: {  	[sflag:s0] =	ssyncadd.s32 $0xFFFFC000  }
0x3e: {  	_ =	swait.ge [sflag:s0], $0x4000  }
0x3f: {  	[sflag:s0] =	ssyncset.done $0x0  }
0x40: {  	[sflag:s0] =	ssyncadd.s32 $0xFFFFC000  }
0x41: {  	[hbm4b:s9+s1] =	stream.linear.scatter [tilespmem:s24], [sflag:$0x2], $0x4000, $0x38;
	[tilespmem:$0x18800] =	vst v63  }
0x42: {  	_ = 	snop  }
0x43: {  	[hbm4b:s10+s1] =	stream.linear.scatter [tilespmem:s26], [sflag:$0x2], $0x4000, $0x38;
	[tilespmem:$0x18800] =	vst v63  }
0x44: {  	_ =	swait.ge [sflag:s0], $0x4000  }
0x45: {  	[sflag:s0] =	ssyncset.done $0x0  }
0x46: {  	[sflag:s0] =	ssyncadd.s32 $0xFFFFC000  }
0x47: {  	_ =	swait.ge [sflag:s0], $0x4000  }
0x48: {  	[sflag:s0] =	ssyncset.done $0x0  }
0x49: {  	[sflag:s0] =	ssyncadd.s32 $0xFFFFC000  }
0x4a: {  	[hbm4b:s11+s1] =	stream.linear.scatter [tilespmem:s29], [sflag:$0x2], $0x4000, $0x38;
	[tilespmem:$0x18800] =	vst v63  }
0x4b: {  	_ = 	snop  }
0x4c: {  	[hbm4b:s12+s1] =	stream.linear.scatter [tilespmem:s31], [sflag:$0x2], $0x4000, $0x38;
	[tilespmem:$0x18800] =	vst v63  }
0x4d: {  	_ =	swait.ge [sflag:s2], $0x4000  }
0x4e: {  	[sflag:s2] =	ssyncset.done $0x0  }
0x4f: {  	[sflag:s2] =	ssyncadd.s32 $0xFFFFC000  }
0x50: {  	_ =	swait.ge [sflag:s2], $0x4000  }
0x51: {  	[sflag:s2] =	ssyncset.done $0x0  }
0x52: {  	[sflag:s2] =	ssyncadd.s32 $0xFFFFC000  }
0x53: {  	[tilespmem:s20], [sflag:$0x1] =	stream.indirect.gather [hbm4b:s3+s18], $0x80, s17, s18, $0xb8;
	[tilespmem:$0x18800] =	vst v63  }
0x54: {  	_ = 	snop  }
0x55: {  	[tilespmem:s22], [sflag:$0x1] =	stream.indirect.gather [hbm4b:s4+s18], $0x80, s19, s18, $0xb8;
	[tilespmem:$0x18800] =	vst v63  }
0x56: {  	_ =	swait.ge [sflag:s0], $0x4000  }
0x57: {  	[sflag:s0] =	ssyncset.done $0x0  }
0x58: {  	[sflag:s0] =	ssyncadd.s32 $0xFFFFC000  }
0x59: {  	_ =	swait.ge [sflag:s0], $0x4000  }
0x5a: {  	[sflag:s0] =	ssyncset.done $0x0  }
0x5b: {  	[sflag:s0] =	ssyncadd.s32 $0xFFFFC000  }
0x5c: {  	[hbm4b:s13+s1] =	stream.linear.scatter [tilespmem:s20], [sflag:$0x2], $0x4000, $0x38;
	[tilespmem:$0x18800] =	vst v63  }
0x5d: {  	_ = 	snop  }
0x5e: {  	[hbm4b:s14+s1] =	stream.linear.scatter [tilespmem:s22], [sflag:$0x2], $0x4000, $0x38;
	[tilespmem:$0x18800] =	vst v63  }
0x5f: {  	_ =	swait.ge [sflag:s2], $0x4000  }
0x60: {  	[sflag:s2] =	ssyncset.done $0x0  }
0x61: {  	[sflag:s2] =	ssyncadd.s32 $0xFFFFC000  }
0x62: {  	_ =	swait.ge [sflag:s2], $0x4000  }
0x63: {  	[sflag:s2] =	ssyncset.done $0x0  }
0x64: {  	[sflag:s2] =	ssyncadd.s32 $0xFFFFC000  }
0x65: {  	_ =	swait.ge [sflag:s2], $0x4000  }
0x66: {  	[sflag:s2] =	ssyncset.done $0x0  }
0x67: {  	[sflag:s2] =	ssyncadd.s32 $0xFFFFC000  }
0x68: {  	_ =	swait.ge [sflag:s2], $0x4000  }
0x69: {  	[sflag:s2] =	ssyncset.done $0x0  }
0x6a: {  	s21 =	sadd.s32 $0x1, s21;
	[sflag:s2] =	ssyncadd.s32 $0xFFFFC000  }
0x6b: {  	p0 =	sne.s32 s21, s15;
	_ =	swait.ge [sflag:s2], $0x4000  }
.Ltmp1:
0x6c: {  	[sflag:s2] =	ssyncset.done $0x0;
	(pc) =	sbr.rel @p0 .LBB2_1-.Ltmp1, $4  }
0x6d: {  	[sflag:s2] =	ssyncadd.s32 $0xFFFFC000  }
0x6e: {  	_ =	swait.ge [sflag:s2], $0x4000  }
0x6f: {  	[sflag:s2] =	ssyncset.done $0x0  }
0x70: {  	[sflag:s2] =	ssyncadd.s32 $0xFFFFC000  }
0x71: {  	_ =	sfence.sel $0x180000  }
0x72: {  	[bflag:$0x0] =	sbarrier.arrive $0xFFFF  }
0x73: {  	_ =	strace $0x90000047  }
0x74: {  	s0 =	stileid.u32;
	[bflag:$0x2] =	sbarrier.arrive $0xFFFF  }
0x75: {  	p0 =	sne.s32 s0, $0x0;
	s0 =	rddreg [dreg:$0x3]  }
0x76: {  	s0 =	sadd.s32 @!p0 $0x100000, s0  }
0x77: {  	[sflag:s0] =	ssyncadd.tile.s32 @!p0 $0x1;
	_ =	shalt  }
.Lfunc_end2:
_tile_overlayer_lowered:
.L_overlay_start_2:
0x78: {  	(tag) =	ssettag $0x2  }
0x79: {  	s0 =	rddreg [dreg:$0x0];
	s2 =	stileid.u32  }
0x7a: {  	s1 =	rddreg [dreg:$0x1];
	p0 =	sne.s32 s2, $0x0  }
0x7b: {  	s3 =	rddreg [dreg:$0x2];
	[bflag:$0x3] =	sbarrier.arrive $0xFFFF;
	s2 =	simm.s32 @!p0 $0x1C03  }
0x7c: {  	[timem:s3], [sflag:s2] =	dma.local @!p0 [hbm:s0], s1  }
0x7d: {  	s0 =	simm.s32 @!p0 $0x3  }
0x7e: {  	_ =	swait.ge @!p0 [sflag:s0], s1  }
0x7f: {  	s1 =	ssub.s32 @!p0 $0x0, s1;
	[sflag:s0] =	ssyncset.done @!p0 $0x0  }
0x80: {  	[sflag:s0] =	ssyncadd.s32 @!p0 s1  }
0x81: {  	[bflag:$0x3] =	sbarrier.arrive $0xFFFF  }
0x82: {  	_ =	shalt  }

</sc_bundles>
